<compile_context>
chip_gen: v7x
topology: tpu7x:2x2x1
jax: 0.10.2.dev20260603
libtpu: 0.0.44.dev20260713+nightly
codegen_flags: <defaults>
</compile_context>

<pallas_src>
import functools

import jax
import jax.numpy as jnp
from jax import lax
from jax.experimental import pallas as pl
from jax.experimental.pallas import tpu as pltpu
from jax.experimental.pallas import tpu_sc as plsc

_THRESHOLD = 0.95
_ALPHA = 0.1
_N = 1000
_B = 16384
_LO = _ALPHA / _N
_HI = 1.0 - _ALPHA + _ALPHA / _N

_BLK = 2048
_G = _B // _BLK

_NC = 2
_NS = 16
_NW = _NC * _NS
_RPW = _B // _NW
_R = 128
_NCHUNK = _RPW // _R


def _stats_body(x_ref, t_ref, mask_ref, ps_ref):
    x = x_ref[...]
    m = jnp.max(x, axis=1, keepdims=True)
    s = jnp.sum(jnp.exp(x - m), axis=1, keepdims=True)
    gt = (1.0 / s) > _THRESHOLD
    cols = lax.broadcasted_iota(jnp.int32, (_BLK, _N), 1)
    amax = jnp.min(jnp.where(x == m, cols, _N), axis=1, keepdims=True)
    tgt = t_ref[0, 0, :].reshape(_BLK, 1)
    hot = jnp.where(gt, amax, tgt)
    mask_ref[0, 0, :] = gt.reshape(_BLK).astype(jnp.float32)
    ps_ref[0, 0, :] = hot.reshape(_BLK)


_stats = pl.pallas_call(
    _stats_body,
    grid=(_G,),
    in_specs=[
        pl.BlockSpec((_BLK, _N), lambda i: (i, 0)),
        pl.BlockSpec((1, 1, _BLK), lambda i: (i, 0, 0)),
    ],
    out_specs=[
        pl.BlockSpec((1, 1, _BLK), lambda i: (i, 0, 0)),
        pl.BlockSpec((1, 1, _BLK), lambda i: (i, 0, 0)),
    ],
    out_shape=[
        jax.ShapeDtypeStruct((_G, 1, _BLK), jnp.float32),
        jax.ShapeDtypeStruct((_G, 1, _BLK), jnp.int32),
    ],
)


@functools.partial(
    pl.kernel,
    out_type=jax.ShapeDtypeStruct((_B, _N), jnp.float32),
    mesh=plsc.VectorSubcoreMesh(core_axis_name="c", subcore_axis_name="s"),
    scratch_types=[
        pltpu.VMEM((_RPW,), jnp.int32),
        pltpu.VMEM((_R, _N), jnp.float32),
    ],
    compiler_params=pltpu.CompilerParams(
        use_tc_tiling_on_sc=False, needs_layout_passes=False
    ),
)
def _sc_write(ps_hbm, out_hbm, ps_v, buf):
    wid = lax.axis_index("s") * _NC + lax.axis_index("c")
    base = wid * _RPW
    pltpu.sync_copy(ps_hbm.at[pl.ds(base, _RPW)], ps_v)

    lo16 = jnp.full((16,), _LO, jnp.float32)
    hi16 = jnp.full((16,), _HI, jnp.float32)
    lane = lax.iota(jnp.int32, 16)

    def fill_row(r, _):
        def fill_col(c, carry):
            buf[r, pl.ds(c * 16, 16)] = lo16
            return carry
        lax.fori_loop(0, _N // 16, fill_col, _)
        buf[r, pl.ds(_N - 16, 16)] = lo16
        return _

    lax.fori_loop(0, _R, fill_row, 0)

    def do_chunk(k, _):
        def put(g, carry):
            p = ps_v[pl.ds(k * _R + g * 16, 16)]
            plsc.store_scatter(buf, [lane + g * 16, p], hi16)
            return carry
        lax.fori_loop(0, _R // 16, put, 0)
        pltpu.sync_copy(buf, out_hbm.at[pl.ds(base + k * _R, _R)])
        def unput(g, carry):
            p = ps_v[pl.ds(k * _R + g * 16, 16)]
            plsc.store_scatter(buf, [lane + g * 16, p], lo16)
            return carry
        return lax.fori_loop(0, _R // 16, unput, _)

    lax.fori_loop(0, _NCHUNK, do_chunk, 0)


def kernel(logits, targets):
    tg = targets.reshape(_G, 1, _BLK).astype(jnp.int32)
    mask3, ps3 = _stats(logits, tg)
    smooth = _sc_write(ps3.reshape(_B))
    return smooth, mask3.reshape(_B)

# --- scband reference (transcript-rebuilt; emitter-appended) ---
"""Pipeline reference for scband-pseudo-labeling-18064632447566 (READ-ONLY COPY).

The authoritative reference and input builder live on the scoring server;
editing this copy changes nothing except your own understanding.
"""

import jax, jax.numpy as jnp
import numpy as np

THRESHOLD = 0.95
ALPHA = 0.1
NUM_CLASSES = 1000
BATCH = 16384


def setup_inputs(seed: int = 0) -> dict:
    key = jax.random.key(seed)
    k1, k2 = jax.random.split(key)
    logits = jax.random.normal(k1, (BATCH, NUM_CLASSES), dtype=jnp.float32)
    targets = jax.random.randint(k2, (BATCH,), 0, NUM_CLASSES, dtype=jnp.int64 if jax.config.jax_enable_x64 else jnp.int32)
    return {"logits": logits, "targets": targets}


def reference(logits, targets):
    probs = jax.nn.softmax(logits, axis=1)
    confidence = jnp.max(probs, axis=1)
    predictions = jnp.argmax(probs, axis=1)
    mask = (confidence > THRESHOLD).astype(jnp.float32)
    pseudo_labels = jnp.where(mask.astype(bool), predictions.astype(targets.dtype), targets)
    # scatter-overwrite: one-hot via .at[...].set
    rows = jnp.arange(logits.shape[0])
    smooth_labels = jnp.zeros_like(probs).at[rows, pseudo_labels].set(1.0)
    smooth_labels = smooth_labels * (1.0 - ALPHA) + ALPHA / NUM_CLASSES
    return (smooth_labels, mask)

if __name__ == "__main__":
    import jax
    _d = setup_inputs()
    print(jax.jit(kernel)(*tuple(_d.values())))

</pallas_src>

<mosaic_0001>
#map = affine_map<(d0, d1) -> (0)>
#map1 = affine_map<(d0, d1) -> (0, 0)>
module attributes {stable_mosaic.version = 14 : i64} {
  func.func @_sc_write(%arg0: i32, %arg1: i32, %arg2: memref<16384xi32, #tpu.memory_space<hbm>>, %arg3: memref<16384x1000xf32, #tpu.memory_space<hbm>>, %arg4: memref<512xi32, #tpu.memory_space<vmem>>, %arg5: memref<128x1000xf32, #tpu.memory_space<vmem>>) attributes {dimension_semantics = [#tpu.dimension_semantics<core_parallel>, #tpu.dimension_semantics<subcore_parallel>], iteration_bounds = array<i64: 2, 16>, scalar_prefetch = 0 : i64, scratch_operands = 2 : i64, tpu.core_type = #tpu.core_type<sc_vector_subcore>, window_params = [{transform_indices = #map}, {transform_indices = #map1}]} {
    %mul3A = arith.constant 2 : i32
    %mul3A_0 = arith.muli %arg1, %mul3A : i32
    %add3A = arith.addi %mul3A_0, %arg0 : i32
    %mul3A_1 = arith.constant 512 : i32
    %mul3A_2 = arith.muli %add3A, %mul3A_1 : i32
    "tpu.region"() ({
      %run_scoped3A = tpu.sem_alloc : memref<!tpu.dma_semaphore, #tpu.memory_space<semaphore_mem>>
      %dma_start3A = tpu.memref_slice %arg2[%mul3A_2] : memref<16384xi32, #tpu.memory_space<hbm>> -> memref<512xi32, #tpu.memory_space<hbm>>
      %dma_start3A_17 = tpu.memref_slice %arg2[%mul3A_2] : memref<16384xi32, #tpu.memory_space<hbm>> -> memref<512xi32, #tpu.memory_space<hbm>>
      tpu.enqueue_dma source(%dma_start3A_17 : memref<512xi32, #tpu.memory_space<hbm>>) target(%arg4 : memref<512xi32, #tpu.memory_space<vmem>>) target_semaphore(%run_scoped3A : memref<!tpu.dma_semaphore, #tpu.memory_space<semaphore_mem>>)
      %dma_wait3A = tpu.memref_slice %arg2[%mul3A_2] : memref<16384xi32, #tpu.memory_space<hbm>> -> memref<512xi32, #tpu.memory_space<hbm>>
      %dma_wait3A_18 = tpu.memref_slice %arg2[%mul3A_2] : memref<16384xi32, #tpu.memory_space<hbm>> -> memref<512xi32, #tpu.memory_space<hbm>>
      tpu.wait_dma2 semaphore(%run_scoped3A : memref<!tpu.dma_semaphore, #tpu.memory_space<semaphore_mem>>) src(%dma_wait3A_18 : memref<512xi32, #tpu.memory_space<hbm>>) dst(%arg4 : memref<512xi32, #tpu.memory_space<vmem>>)
      tpu.yield
    }) : () -> ()
    %broadcast_in_dim3A = arith.constant 9.99999974E-5 : f32
    %broadcast_in_dim3A_3 = vector.broadcast %broadcast_in_dim3A : f32 to vector<16xf32>
    %broadcast_in_dim3A_4 = arith.constant 9.001000e-01 : f32
    %broadcast_in_dim3A_5 = vector.broadcast %broadcast_in_dim3A_4 : f32 to vector<16xf32>
    %iota3A = tpu.iota {dimensions = array<i32: 0>} : vector<16xi32>
    %scan3A = arith.constant 0 : i32
    %scan3A_6 = arith.constant 0 : i32
    %scan3A_7 = arith.constant 128 : i32
    %scan3A_8 = arith.addi %scan3A_6, %scan3A_7 : i32
    %scan3A_9 = arith.constant 1 : i32
    scf.for %scan3A_17 = %scan3A_6 to %scan3A_8 step %scan3A_9  : i32 {
      %scan3A_18 = arith.constant 0 : i32
      %scan3A_19 = arith.constant 62 : i32
      %scan3A_20 = arith.addi %scan3A_18, %scan3A_19 : i32
      %scan3A_21 = arith.constant 1 : i32
      scf.for %scan3A_25 = %scan3A_18 to %scan3A_20 step %scan3A_21  : i32 {
        %mul3A_26 = arith.constant 16 : i32
        %mul3A_27 = arith.muli %scan3A_25, %mul3A_26 : i32
        %swap3A_28 = arith.index_cast %scan3A_17 : i32 to index
        %swap3A_29 = arith.index_cast %mul3A_27 : i32 to index
        %swap3A_30 = tpu.vector_load %arg5[%swap3A_28, %swap3A_29] {strides = array<i32>} : memref<128x1000xf32, #tpu.memory_space<vmem>>, vector<16xf32>,
        tpu.vector_store %arg5[%swap3A_28, %swap3A_29], %broadcast_in_dim3A_3 {strides = array<i32>} : memref<128x1000xf32, #tpu.memory_space<vmem>>, vector<16xf32>,
      }
      %scan3A_22 = arith.constant 62 : i32
      %swap3A = arith.index_cast %scan3A_17 : i32 to index
      %swap3A_23 = arith.constant 984 : index
      %swap3A_24 = tpu.vector_load %arg5[%swap3A, %swap3A_23] {strides = array<i32>} : memref<128x1000xf32, #tpu.memory_space<vmem>>, vector<16xf32>,
      tpu.vector_store %arg5[%swap3A, %swap3A_23], %broadcast_in_dim3A_3 {strides = array<i32>} : memref<128x1000xf32, #tpu.memory_space<vmem>>, vector<16xf32>,
    }
    %scan3A_10 = arith.constant 128 : i32
    %scan3A_11 = arith.constant 0 : i32
    %scan3A_12 = arith.constant 0 : i32
    %scan3A_13 = arith.constant 4 : i32
    %scan3A_14 = arith.addi %scan3A_12, %scan3A_13 : i32
    %scan3A_15 = arith.constant 1 : i32
    scf.for %scan3A_17 = %scan3A_12 to %scan3A_14 step %scan3A_15  : i32 {
      %scan3A_18 = arith.constant 0 : i32
      %scan3A_19 = arith.constant 0 : i32
      %scan3A_20 = arith.constant 8 : i32
      %scan3A_21 = arith.addi %scan3A_19, %scan3A_20 : i32
      %scan3A_22 = arith.constant 1 : i32
      scf.for %scan3A_32 = %scan3A_19 to %scan3A_21 step %scan3A_22  : i32 {
        %mul3A_33 = arith.constant 128 : i32
        %mul3A_34 = arith.muli %scan3A_17, %mul3A_33 : i32
        %mul3A_35 = arith.constant 16 : i32
        %mul3A_36 = arith.muli %scan3A_32, %mul3A_35 : i32
        %add3A_37 = arith.addi %mul3A_34, %mul3A_36 : i32
        %get3A = arith.index_cast %add3A_37 : i32 to index
        %get3A_38 = tpu.vector_load %arg4[%get3A] {strides = array<i32>} : memref<512xi32, #tpu.memory_space<vmem>>, vector<16xi32>,
        %mul3A_39 = arith.constant 16 : i32
        %mul3A_40 = arith.muli %scan3A_32, %mul3A_39 : i32
        %add3A_41 = vector.broadcast %mul3A_40 : i32 to vector<16xi32>
        %add3A_42 = arith.addi %iota3A, %add3A_41 : vector<16xi32>
        tpu.vector_store_idx %arg5[%add3A_42, %get3A_38], %broadcast_in_dim3A_5 : memref<128x1000xf32, #tpu.memory_space<vmem>>[vector<16xi32>, vector<16xi32>], vector<16xf32>,
      }
      %scan3A_23 = arith.constant 8 : i32
      %mul3A_24 = arith.constant 128 : i32
      %mul3A_25 = arith.muli %scan3A_17, %mul3A_24 : i32
      %add3A_26 = arith.addi %mul3A_2, %mul3A_25 : i32
      "tpu.region"() ({
        %run_scoped3A = tpu.sem_alloc : memref<!tpu.dma_semaphore, #tpu.memory_space<semaphore_mem>>
        %dma_start3A = arith.constant 0 : i32
        %dma_start3A_32 = tpu.memref_slice %arg3[%add3A_26, %dma_start3A] : memref<16384x1000xf32, #tpu.memory_space<hbm>> -> memref<128x1000xf32, #tpu.memory_space<hbm>>
        %dma_start3A_33 = arith.constant 0 : i32
        %dma_start3A_34 = tpu.memref_slice %arg3[%add3A_26, %dma_start3A_33] : memref<16384x1000xf32, #tpu.memory_space<hbm>> -> memref<128x1000xf32, #tpu.memory_space<hbm>>
        tpu.enqueue_dma source(%arg5 : memref<128x1000xf32, #tpu.memory_space<vmem>>) target(%dma_start3A_34 : memref<128x1000xf32, #tpu.memory_space<hbm>>) target_semaphore(%run_scoped3A : memref<!tpu.dma_semaphore, #tpu.memory_space<semaphore_mem>>)
        %dma_wait3A = arith.constant 0 : i32
        %dma_wait3A_35 = tpu.memref_slice %arg3[%add3A_26, %dma_wait3A] : memref<16384x1000xf32, #tpu.memory_space<hbm>> -> memref<128x1000xf32, #tpu.memory_space<hbm>>
        %dma_wait3A_36 = arith.constant 0 : i32
        %dma_wait3A_37 = tpu.memref_slice %arg3[%add3A_26, %dma_wait3A_36] : memref<16384x1000xf32, #tpu.memory_space<hbm>> -> memref<128x1000xf32, #tpu.memory_space<hbm>>
        tpu.wait_dma2 semaphore(%run_scoped3A : memref<!tpu.dma_semaphore, #tpu.memory_space<semaphore_mem>>) src(%arg5 : memref<128x1000xf32, #tpu.memory_space<vmem>>) dst(%dma_wait3A_37 : memref<128x1000xf32, #tpu.memory_space<hbm>>)
        tpu.yield
      }) : () -> ()
      %scan3A_27 = arith.constant 0 : i32
      %scan3A_28 = arith.constant 8 : i32
      %scan3A_29 = arith.addi %scan3A_27, %scan3A_28 : i32
      %scan3A_30 = arith.constant 1 : i32
      scf.for %scan3A_32 = %scan3A_27 to %scan3A_29 step %scan3A_30  : i32 {
        %mul3A_33 = arith.constant 128 : i32
        %mul3A_34 = arith.muli %scan3A_17, %mul3A_33 : i32
        %mul3A_35 = arith.constant 16 : i32
        %mul3A_36 = arith.muli %scan3A_32, %mul3A_35 : i32
        %add3A_37 = arith.addi %mul3A_34, %mul3A_36 : i32
        %get3A = arith.index_cast %add3A_37 : i32 to index
        %get3A_38 = tpu.vector_load %arg4[%get3A] {strides = array<i32>} : memref<512xi32, #tpu.memory_space<vmem>>, vector<16xi32>,
        %mul3A_39 = arith.constant 16 : i32
        %mul3A_40 = arith.muli %scan3A_32, %mul3A_39 : i32
        %add3A_41 = vector.broadcast %mul3A_40 : i32 to vector<16xi32>
        %add3A_42 = arith.addi %iota3A, %add3A_41 : vector<16xi32>
        tpu.vector_store_idx %arg5[%add3A_42, %get3A_38], %broadcast_in_dim3A_3 : memref<128x1000xf32, #tpu.memory_space<vmem>>[vector<16xi32>, vector<16xi32>], vector<16xf32>,
      }
      %scan3A_31 = arith.constant 8 : i32
    }
    %scan3A_16 = arith.constant 4 : i32
    return
  }
}

module attributes {stable_mosaic.version = 14 : i64} {
  func.func @_stats_body(%arg0: i32, %arg1: memref<2048x1000xf32, #tpu.memory_space<vmem>>, %arg2: memref<1x1x2048xi32, #tpu.memory_space<vmem>>, %arg3: memref<1x1x2048xf32, #tpu.memory_space<vmem>>, %arg4: memref<1x1x2048xi32, #tpu.memory_space<vmem>>) attributes {dimension_semantics = [#tpu.dimension_semantics<arbitrary>], iteration_bounds = array<i64: 8>, scalar_prefetch = 0 : i64, scratch_operands = 0 : i64, tpu.core_type = #tpu.core_type<tc>, window_params = [{transform_indices = @transform_0, window_bounds = array<i64: 2048, 1000>}, {transform_indices = @transform_1, window_bounds = array<i64: 1, 1, 2048>}, {transform_indices = @transform_2, window_bounds = array<i64: 1, 1, 2048>}, {transform_indices = @transform_3, window_bounds = array<i64: 1, 1, 2048>}]} {
    %get3A = arith.constant 0 : index
    %get3A_0 = arith.constant 0 : index
    %get3A_1 = vector.load %arg1[%get3A, %get3A_0] : memref<2048x1000xf32, #tpu.memory_space<vmem>>, vector<2048x1000xf32>
    %reduce_max3A = arith.constant dense<0xFF800000> : vector<2048xf32>
    %reduce_max3A_2 = vector.multi_reduction <maximumf>, %get3A_1, %reduce_max3A [1] : vector<2048x1000xf32> to vector<2048xf32>
    %broadcast_in_dim3A = vector.shape_cast %reduce_max3A_2 : vector<2048xf32> to vector<2048x1xf32>
    %sub3A = vector.broadcast %broadcast_in_dim3A : vector<2048x1xf32> to vector<2048x1000xf32>
    %sub3A_3 = arith.subf %get3A_1, %sub3A : vector<2048x1000xf32>
    %exp3A = math.exp %sub3A_3 : vector<2048x1000xf32>
    %reduce_sum3A = arith.constant dense<0.000000e+00> : vector<2048xf32>
    %reduce_sum3A_4 = vector.multi_reduction <add>, %exp3A, %reduce_sum3A [1] : vector<2048x1000xf32> to vector<2048xf32>
    %broadcast_in_dim3A_5 = vector.shape_cast %reduce_sum3A_4 : vector<2048xf32> to vector<2048x1xf32>
    %div3A = arith.constant 1.000000e+00 : f32
    %div3A_6 = vector.broadcast %div3A : f32 to vector<2048x1xf32>
    %div3A_7 = arith.divf %div3A_6, %broadcast_in_dim3A_5 : vector<2048x1xf32>
    %gt3A = arith.constant 0.949999988 : f32
    %gt3A_8 = vector.broadcast %gt3A : f32 to vector<2048x1xf32>
    %gt3A_9 = arith.cmpf ogt, %div3A_7, %gt3A_8 : vector<2048x1xf32>
    %iota3A = tpu.iota {dimensions = array<i32: 1>} : vector<2048x1000xi32>
    %eq3A = vector.broadcast %broadcast_in_dim3A : vector<2048x1xf32> to vector<2048x1000xf32>
    %eq3A_10 = arith.cmpf oeq, %get3A_1, %eq3A : vector<2048x1000xf32>
    %jit3A = arith.constant 1000 : i32
    %broadcast_in_dim3A_11 = vector.broadcast %jit3A : i32 to vector<2048x1000xi32>
    %select_n3A = arith.select %eq3A_10, %iota3A, %broadcast_in_dim3A_11 : vector<2048x1000xi1>, vector<2048x1000xi32>
    %reduce_min3A = arith.constant dense<2147483647> : vector<2048xi32>
    %reduce_min3A_12 = vector.multi_reduction <minsi>, %select_n3A, %reduce_min3A [1] : vector<2048x1000xi32> to vector<2048xi32>
    %broadcast_in_dim3A_13 = vector.shape_cast %reduce_min3A_12 : vector<2048xi32> to vector<2048x1xi32>
    %get3A_14 = arith.constant 0 : index
    %get3A_15 = arith.constant 0 : index
    %get3A_16 = arith.constant 0 : index
    %get3A_17 = vector.load %arg2[%get3A_14, %get3A_15, %get3A_16] : memref<1x1x2048xi32, #tpu.memory_space<vmem>>, vector<1x1x2048xi32>
    %get3A_18 = vector.shape_cast %get3A_17 : vector<1x1x2048xi32> to vector<2048xi32>
    %reshape3A = vector.shape_cast %get3A_18 : vector<2048xi32> to vector<2048x1xi32>
    %select_n3A_19 = arith.select %gt3A_9, %broadcast_in_dim3A_13, %reshape3A : vector<2048x1xi1>, vector<2048x1xi32>
    %reshape3A_20 = vector.shape_cast %gt3A_9 : vector<2048x1xi1> to vector<2048xi1>
    %convert_element_type3A = arith.extui %reshape3A_20 : vector<2048xi1> to vector<2048xi32>
    %convert_element_type3A_21 = arith.sitofp %convert_element_type3A : vector<2048xi32> to vector<2048xf32>
    %swap3A = arith.constant 0 : index
    %swap3A_22 = arith.constant 0 : index
    %swap3A_23 = arith.constant 0 : index
    %swap3A_24 = vector.load %arg3[%swap3A, %swap3A_22, %swap3A_23] : memref<1x1x2048xf32, #tpu.memory_space<vmem>>, vector<1x1x2048xf32>
    %swap3A_25 = vector.shape_cast %swap3A_24 : vector<1x1x2048xf32> to vector<2048xf32>
    %swap3A_26 = vector.shape_cast %convert_element_type3A_21 : vector<2048xf32> to vector<1x1x2048xf32>
    tpu.vector_store %arg3[%swap3A, %swap3A_22, %swap3A_23], %swap3A_26 {strides = array<i32>} : memref<1x1x2048xf32, #tpu.memory_space<vmem>>, vector<1x1x2048xf32>,
    %reshape3A_27 = vector.shape_cast %select_n3A_19 : vector<2048x1xi32> to vector<2048xi32>
    %swap3A_28 = arith.constant 0 : index
    %swap3A_29 = arith.constant 0 : index
    %swap3A_30 = arith.constant 0 : index
    %swap3A_31 = vector.load %arg4[%swap3A_28, %swap3A_29, %swap3A_30] : memref<1x1x2048xi32, #tpu.memory_space<vmem>>, vector<1x1x2048xi32>
    %swap3A_32 = vector.shape_cast %swap3A_31 : vector<1x1x2048xi32> to vector<2048xi32>
    %swap3A_33 = vector.shape_cast %reshape3A_27 : vector<2048xi32> to vector<1x1x2048xi32>
    tpu.vector_store %arg4[%swap3A_28, %swap3A_29, %swap3A_30], %swap3A_33 {strides = array<i32>} : memref<1x1x2048xi32, #tpu.memory_space<vmem>>, vector<1x1x2048xi32>,
    return
  }
  func.func @transform_0(%arg0: i32) -> (i32, i32) {
    %c0_i32 = arith.constant 0 : i32
    %c0_i32_0 = arith.constant 0 : i32
    return %arg0, %c0_i32 : i32, i32
  }
  func.func @transform_1(%arg0: i32) -> (i32, i32, i32) {
    %c0_i32 = arith.constant 0 : i32
    %c0_i32_0 = arith.constant 0 : i32
    %c0_i32_1 = arith.constant 0 : i32
    return %arg0, %c0_i32, %c0_i32_0 : i32, i32, i32
  }
  func.func @transform_2(%arg0: i32) -> (i32, i32, i32) {
    %c0_i32 = arith.constant 0 : i32
    %c0_i32_0 = arith.constant 0 : i32
    %c0_i32_1 = arith.constant 0 : i32
    return %arg0, %c0_i32, %c0_i32_0 : i32, i32, i32
  }
  func.func @transform_3(%arg0: i32) -> (i32, i32, i32) {
    %c0_i32 = arith.constant 0 : i32
    %c0_i32_0 = arith.constant 0 : i32
    %c0_i32_1 = arith.constant 0 : i32
    return %arg0, %c0_i32, %c0_i32_0 : i32, i32, i32
  }
}

</mosaic_0001>

<sc_bundles>
// kernel: kernel.4.cloned.1.call-start
scs
__scs_entry_jumppad:
0x0: {  	(pc) =	sbr.rel $0x88, $3  }
0x1: {  	(tag) =	ssettag $0x0;
	lr =	simm.s32 $0x1  }
0x2: {  	[smem:$0x3F9F] =	sst lr;
	_ =	strace $0xD0000000  }
0x3: {  	_ = 	snop  }
0x4: {  	_ = 	snop  }
0x5: {  	_ = 	snop  }
0x6: {  	_ = 	snop  }
0x7: {  	_ = 	snop  }
__scs_overlays_trampoline_lowered:
0x8: {  	[smem:$0x3FAE] =	sst s0  }
0x9: {  	[smem:$0x3FAF] =	sst s1  }
0xa: {  	[smem:$0x3FB0] =	sst s2  }
0xb: {  	[smem:$0x3FB1] =	sst s3  }
0xc: {  	[smem:$0x3FB2] =	sst s4  }
0xd: {  	[smem:$0x3FB3] =	sst s5  }
0xe: {  	[smem:$0x3FB4] =	sst s6  }
0xf: {  	[smem:$0x3FB5] =	sst s7  }
0x10: {  	[smem:$0x3FB6] =	sst s8  }
0x11: {  	[smem:$0x3FB7] =	sst s9;
	s0 =	simm.s32 @!p0 $0x0  }
0x12: {  	s1 =	sld [smem:$0x3F9D];
	s0 =	simm.s32 @p0 $0x1  }
0x13: {  	[smem:$0x3FB8] =	sst s0;
	s0 =	simm.s32 @!p1 $0x0  }
0x14: {  	s2 =	sld [smem:$0x3F9C];
	s0 =	simm.s32 @p1 $0x1  }
0x15: {  	[smem:$0x3FB9] =	sst s0;
	s0 =	simm.s32 @!p2 $0x0  }
0x16: {  	s3 =	sld [smem:$0x3FDB];
	s0 =	simm.s32 @p2 $0x1  }
0x17: {  	s4 =	simm.s32 $0x1BF5;
	[smem:$0x3FBB] =	sst s0  }
0x18: {  	s0 =	sld [smem:$0x3F9E];
	_ =	swait.ge [sflag:s4], $0x0  }
0x19: {  	s7 =	sld [smem:$0x3F9F]  }
0x1a: {  	s8 =	sadd.s32 $0xFFFFE003, lr  }
0x1b: {  	s9 =	sadd.s32 $0xFFFFFEF7, lr;
	s5 =	simm.s32 $0xFFFFFFFF;
	p2 =	slt.u32 s8, $0xFFFFF086  }
0x1c: {  	p1 =	slt.u32 s9, $0xF7A;
	s5 =	simm.s32 @!p2 $0x0  }
0x1d: {  	s5 =	simm.s32 @p1 $0x1;
	p0 =	seq.s32 s7, s2  }
0x1e: {  	s7 =	smul.u32 @!p0 $0xF7A, s2;
	p2 =	seq.s32 @!p0 s5, $0x0  }
0x1f: {  	s9 =	smul.u32 $0xF7A, s1;
	s8 =	simm.s32 @!p0 $0x1BF5;
	p2 =	por !p2, p0  }
0x20: {  	[sflag:s8] =	ssyncset.s32 @!p0 $0xFFFFF086;
	s6 =	sadd.s32 @!p0 s3, s7;
	s7 =	simm.s32 @!p0 $0x108  }
0x21: {  	s3 =	sadd.s32 s3, s9;
	s6 =	sadd.s32 @!p0 $0x88, s6;
	s7 =	simm.s32 @p2 $0x1082  }
0x22: {  	[simem:s7], [sflag:s8] =	dma.local @!p0 [hbm:s6], $0xF7A  }
0x23: {  	s9 =	sor.u32 $0xD0000000, s2;
	s6 =	simm.s32 $0x108;
	_ =	swait.ge @!p0 [sflag:s8], $0x0  }
0x24: {  	s3 =	sadd.s32 $0x88, s3;
	s6 =	simm.s32 @!p1 $0x1082;
	[sflag:s4] =	ssyncset.s32 $0xFFFFF086  }
0x25: {  	[simem:s6], [sflag:s4] =	dma.local [hbm:s3], $0xF7A  }
0x26: {  	[smem:$0x3F9F] =	sst s1;
	(tag) =	ssettag s2;
	_ =	strace s9  }
0x27: {  	s1 =	sld [smem:$0x3FAF]  }
0x28: {  	s2 =	sld [smem:$0x3FB0]  }
0x29: {  	s4 =	sld [smem:$0x3FB2]  }
0x2a: {  	p0 =	seq.s32 s5, $0x0;
	s5 =	sld [smem:$0x3FB3]  }
0x2b: {  	s6 =	sld [smem:$0x3FB4]  }
0x2c: {  	s7 =	sld [smem:$0x3FB5]  }
0x2d: {  	s3 =	simm.s32 $0x108;
	s8 =	sld [smem:$0x3FB6]  }
0x2e: {  	s3 =	simm.s32 @!p0 $0x1082;
	s9 =	sld [smem:$0x3FB7]  }
0x2f: {  	lr =	sadd.s32 s0, s3;
	s0 =	sld [smem:$0x3FAE]  }
0x30: {  	s3 =	sld [smem:$0x3FB1]  }
0x31: {  	[smem:$0x3FBA] =	sst s10  }
0x32: {  	s10 =	sld [smem:$0x3FB8];
	_ =	sdelay $0x3  }
0x33: {  	p0 =	seq.s32 s10, $0x1;
	s10 =	sld [smem:$0x3FBA];
	_ =	sdelay $0x3  }
0x34: {  	[smem:$0x3FBA] =	sst s10  }
0x35: {  	s10 =	sld [smem:$0x3FB9];
	_ =	sdelay $0x3  }
0x36: {  	p1 =	seq.s32 s10, $0x1;
	s10 =	sld [smem:$0x3FBA];
	_ =	sdelay $0x3  }
0x37: {  	[smem:$0x3FBA] =	sst s10  }
0x38: {  	s10 =	sld [smem:$0x3FBB]  }
0x39: {  	_ = 	snop;
	(pc) =	sbr.ind lr, $3  }
0x3a: {  	_ = 	snop  }
0x3b: {  	_ = 	snop  }
0x3c: {  	p2 =	seq.s32 s10, $0x1;
	s10 =	sld [smem:$0x3FBA]  }
0x3d: {  	_ =	shalt  }
0x3e: {  	_ =	shalt  }
0x3f: {  	_ =	shalt  }
0x40: {  	_ =	shalt  }
0x41: {  	_ =	shalt  }
0x42: {  	_ =	shalt  }
0x43: {  	_ =	shalt  }
0x44: {  	_ =	shalt  }
0x45: {  	_ =	shalt  }
0x46: {  	_ =	shalt  }
0x47: {  	_ =	shalt  }
0x48: {  	_ =	shalt  }
0x49: {  	_ =	shalt  }
0x4a: {  	_ =	shalt  }
0x4b: {  	_ =	shalt  }
0x4c: {  	_ =	shalt  }
0x4d: {  	_ =	shalt  }
0x4e: {  	_ =	shalt  }
0x4f: {  	_ =	shalt  }
0x50: {  	_ =	shalt  }
0x51: {  	_ =	shalt  }
0x52: {  	_ =	shalt  }
0x53: {  	_ =	shalt  }
0x54: {  	_ =	shalt  }
0x55: {  	_ =	shalt  }
0x56: {  	_ =	shalt  }
0x57: {  	_ =	shalt  }
0x58: {  	_ =	shalt  }
0x59: {  	_ =	shalt  }
0x5a: {  	_ =	shalt  }
0x5b: {  	_ =	shalt  }
0x5c: {  	_ =	shalt  }
0x5d: {  	_ =	shalt  }
0x5e: {  	_ =	shalt  }
0x5f: {  	_ =	shalt  }
0x60: {  	_ =	shalt  }
0x61: {  	_ =	shalt  }
0x62: {  	_ =	shalt  }
0x63: {  	_ =	shalt  }
0x64: {  	_ =	shalt  }
0x65: {  	_ =	shalt  }
0x66: {  	_ =	shalt  }
0x67: {  	_ =	shalt  }
0x68: {  	_ =	shalt  }
0x69: {  	_ =	shalt  }
0x6a: {  	_ =	shalt  }
0x6b: {  	_ =	shalt  }
0x6c: {  	_ =	shalt  }
0x6d: {  	_ =	shalt  }
0x6e: {  	_ =	shalt  }
0x6f: {  	_ =	shalt  }
0x70: {  	_ =	shalt  }
0x71: {  	_ =	shalt  }
0x72: {  	_ =	shalt  }
0x73: {  	_ =	shalt  }
0x74: {  	_ =	shalt  }
0x75: {  	_ =	shalt  }
0x76: {  	_ =	shalt  }
0x77: {  	_ =	shalt  }
0x78: {  	_ =	shalt  }
0x79: {  	_ =	shalt  }
0x7a: {  	_ =	shalt  }
0x7b: {  	_ =	shalt  }
0x7c: {  	_ =	shalt  }
0x7d: {  	_ =	shalt  }
0x7e: {  	_ =	shalt  }
0x7f: {  	_ =	shalt  }
0x80: {  	_ =	shalt  }
0x81: {  	_ =	shalt  }
0x82: {  	_ =	shalt  }
0x83: {  	_ =	shalt  }
0x84: {  	_ =	shalt  }
0x85: {  	_ =	shalt  }
0x86: {  	_ =	shalt  }
0x87: {  	_ =	shalt  }
.Lfunc_end0:
.L_simem_size_0:
called_computation.1_lowered:
.L_overlay_start_0:
0x88: {  	s2 =	sld [smem:$0x3FD9]  }
0x89: {  	s3 =	sld [smem:$0x3FFE];
	_ =	sdelay $0x1  }
0x8a: {  	s1 =	srdreg.scid  }
0x8b: {  	s0 =	sand.u32 $0x1, s1  }
0x8c: {  	s14 =	sshll.u32 s0, $0xA;
	s2 =	sadd.s32 s3, s2  }
0x8d: {  	s2 =	sadd.s32 s2, s14  }
0x8e: {  	[smem:$0x3FC6] =	sst s2  }
0x8f: {  	_ = 	snop  }
0x90: {  	s2 =	sld [smem:$0x3FD0];
	_ =	sdelay $0x2  }
0x91: {  	s15 =	simm.s32 $0xA;
	s4 =	simm.s32 $0x10  }
0x92: {  	[smem:s4], [sflag:s15] =	dma.local [hbm:s2], $0x1  }
0x93: {  	_ =	swait.eq [sflag:s15], $0x1  }
0x94: {  	[sflag:s15] =	ssyncset.done $0x0  }
0x95: {  	[sflag:s15] =	ssyncadd.s32 $0xFFFFFFFF  }
0x96: {  	s16 =	sld [smem:$0x10];
	(tm) =	ssettm $0x1  }
0x97: {  	s17 =	sld [smem:$0x3FFB];
	_ =	sdelay $0x3  }
0x98: {  	_ =	strace s17  }
0x99: {  	s3 =	sld [smem:$0x3FFC];
	_ =	sdelay $0x3  }
0x9a: {  	_ =	strace s3  }
0x9b: {  	s3 =	sld [smem:$0x3FFD];
	_ =	sdelay $0x3  }
0x9c: {  	_ =	strace s3  }
0x9d: {  	_ =	strace $0x8FFFFFFF  }
0x9e: {  	s18 =	sld [smem:$0x3FDB];
	_ =	sdelay $0x1  }
0x9f: {  	s19 =	simm.s32 $_scs_section_size  }
0xa0: {  	s5 =	simm.s32 $_size__tile_overlayer_lowered;
	s6 =	simm.s32 $_tile_overlayer_lowered  }
0xa1: {  	s22 =	simm.s32 $0x1BFF;
	s21 =	sshll.u32 s6, $0x1;
	s3 =	sadd.s32 s19, s18  }
0xa2: {  	s7 =	simm.s32 $0x0;
	s20 =	sshll.u32 s5, $0x1;
	s5 =	sadd.s32 s21, s3  }
0xa3: {  	[timem:s7], [sflag:s22] =	dma.local [hbm:s5], s20  }
0xa4: {  	_ =	swait.ge [sflag:s22], s20  }
0xa5: {  	s4 =	ssub.s32 $0x0, s20;
	[sflag:s22] =	ssyncset.done $0x0  }
0xa6: {  	[sflag:s22] =	ssyncadd.s32 s4;
	_ =	sdelay $0x1  }
0xa7: {  	s23 =	simm.s32 $0x1B8B  }
0xa8: {  	_ =	swait.ge [sflag:s23], $0x1  }
0xa9: {  	[sflag:s23] =	ssyncset.done $0x0  }
0xaa: {  	s25 =	simm.s32 $0x1B8E;
	s24 =	sld [smem:$0x3FFE];
	[sflag:s23] =	ssyncadd.s32 $0xFFFFFFFF  }
0xab: {  	s26 =	simm.s32 $execute0_lowered;
	[smem:$0x3FD2] =	sst s25  }
0xac: {  	s5 =	sshll.u32 s26, $0x1;
	_ =	strace $0x80000046;
	[dreg:$0x1] =	wrdreg $0xFFFFFFFF  }
0xad: {  	s28 =	simm.s32 $_size_execute0_lowered;
	s3 =	sadd.s32 s3, s5;
	[dreg:$0x0] =	wrdreg $0x0  }
0xae: {  	s5 =	sshll.u32 s28, $0x1;
	[dreg:$0x2] =	wrdreg s3  }
0xaf: {  	[dreg:$0x3] =	wrdreg s5  }
0xb0: {  	[dreg:$0x4] =	wrdreg $0xC0  }
0xb1: {  	_ =	task [dreg:s7], $0x5FFFF  }
0xb2: {  	[dreg:$0x1] =	wrdreg $0xFFFFFFFF  }
0xb3: {  	[dreg:$0x0] =	wrdreg $0x60  }
0xb4: {  	[dreg:$0x2] =	wrdreg s24  }
0xb5: {  	[dreg:$0x3] =	wrdreg s16  }
0xb6: {  	[dreg:$0x4] =	wrdreg $0x9  }
0xb7: {  	_ =	task.clear_ibuf [dreg:s7], $0x5FFFF;
	_ =	strace $0x90000046  }
0xb8: {  	s29 =	simm.s32 $0x9;
	_ =	strace $0x80000048  }
0xb9: {  	_ =	swait.ge [sflag:s29], $0x1  }
0xba: {  	[sflag:s29] =	ssyncadd.s32 $0xFFFFFFFF  }
0xbb: {  	_ =	strace $0x90000048  }
0xbc: {  	_ =	sfence  }
0xbd: {  	s30 =	sld [smem:$0x0];
	_ =	sdelay $0x2  }
0xbe: {  	s31 =	sshll.u32 s1, $0xD;
	s1 =	sshrl.u32 s1, $0x2  }
0xbf: {  	s3 =	sand.u32 $0x4000, s31;
	s1 =	sadd.s32 s1, s30  }
0xc0: {  	s0 =	sor.u32 s3, s0;
	s1 =	sshll.u32 s1, $0x11  }
0xc1: {  	s0 =	sor.u32 s1, s0  }
0xc2: {  	s0 =	sadd.s32 $0x8F2B, s0  }
0xc3: {  	[sflag:s0] =	ssyncadd.remote.s32 $0x1  }
0xc4: {  	_ =	sfence.sel $0xFFFF  }
0xc5: {  	[dreg:$0x0] =	wrdreg $0xFFFFFFFF;
	(pc) =	sbr.abs _section_cstart, $3  }
0xc6: {  	[dreg:$0x1] =	wrdreg $0xFFFFFFFF  }
0xc7: {  	_ =	task.clear_ibuf [dreg:s7], $0x2FFFF;
	_ =	strace $0x9FFFFFFF  }
0xc8: {  	(tm) =	ssettm $0x7FFFFFFF  }
0xc9: {  	_ =	shalt  }
tec
execute0_lowered:
.L_overlay_start_1:
0x0: {  	(tag) =	ssettag $0x1  }
0x1: {  	s1 =	srdreg.scid;
	s5 =	rddreg [dreg:$0x0]  }
0x2: {  	s0 =	stileid.u32;
	s2 =	rddreg [dreg:$0x1]  }
0x3: {  	s9 =	simm.s32 $0x0;
	s4 =	sand.u32 $0x1, s1;
	s3 =	sshll.u32 s0, $0xA  }
0x4: {  	s1 =	rddreg [dreg:$0x2];
	s6 =	sshll.u32 s4, $0x9;
	s31 =	ssub.s32 $0x2, s4  }
0x5: {  	s4 =	simm.s32 $0x0;
	s3 =	sor.u32 s6, s3;
	s8 =	sshrl.u32 s31, $0x1  }
0x6: {  	[smem:$0x7FF] =	sst s4;
	s7 =	sshrl.u32 s3, $0x3;
	s6 =	ssub.s32 s31, s8  }
0x7: {  	v1 =	vlaneseq.u32;
	v0 =	vimm.f32 $9.999999740e-05;
	_ =	strace $0x80000047;
	s8 =	simm.s32 $0x200;
	s5 =	sadd.s32 s7, s5  }
0x8: {  	v2 =	vimm.f32 $9.000999930e-01;
	v1 =	vmul.u32 $0x3E8, v1;
	s6 =	smax.u32 s6, $0x1;
	s7 =	simm.s32 $0x1;
	s5 =	sadd.s32 $0xE00, s5  }
.LBB2_1:
0x9: {  	[tilespmem:s4], [sflag:$0x1] =	stream.linear.gather [hbm4b:s5+s4], $0x200, $0x38;
	[tilespmem:$0x1F600] =	vst v63  }
0xa: {  	_ =	swait.ge [sflag:s7], $0x200  }
0xb: {  	[sflag:s7] =	ssyncset.done $0x0  }
0xc: {  	s11 =	simm.s32 $0x200;
	s12 =	simm.s32 $0x0;
	[sflag:s7] =	ssyncadd.s32 $0xFFFFFE00  }
.LBB2_2:
0xd: {  	v3 =	vmov s11;
	_ =	sdelay $0x1  }
0xe: {  	s10 =	smul.u32 $0xFA0, s12;
	_ =	sdelay $0x1  }
0xf: {  	s13 =	simm.s32 $0x40;
	s14 =	simm.s32 $0x0;
	s10 =	sshra.s32 s10, $0x2  }
.LBB2_3:
0x10: {  	p0 =	sne.s32 s13, $0xF40;
	[tilespmem:v3+s14+$0x0 ss:$0x1] =	vst.idx.msk $0xffff, v0;
	s14 =	smov.u32 s13;
	s13 =	sadd.s32 $0x40, s13  }
.Ltmp0:
0x11: {  	(pc) =	sbr.rel @p0 .LBB2_3-.Ltmp0, $2  }
0x12: {  	_ =	sdelay $0x2  }
0x13: {  	s14 =	sshra.s32 s14, $0x2  }
0x14: {  	s12 =	sadd.s32 $0x1, s12  }
0x15: {  	p0 =	sne.s32 s12, $0x80  }
.Ltmp1:
0x16: {  	_ = 	snop;
	(pc) =	sbr.rel @p0 .LBB2_2-.Ltmp1, $3  }
0x17: {  	_ =	sdelay $0x1  }
0x18: {  	[tilespmem:v3+s14+$0x0 ss:$0x1] =	vst.idx.msk $0xffff, v0  }
0x19: {  	s11 =	sadd.s32 $0x3E8, s11;
	[tilespmem:s10+$0x5D8] =	vst v0;
	s10 =	simm.s32 $0x0  }
0x1a: {  	s11 =	simm.s32 $0x0  }
.LBB2_6:
0x1b: {  	v3 =	vld [tilespmem:s10+$0x0];
	s12 =	simm.s32 $0x10;
	s13 =	simm.s32 $0x0;
	s14 =	smov.u32 s10  }
.LBB2_7:
0x1c: {  	p0 =	sne.s32 s12, $0x70;
	v4 =	vmov s13;
	s13 =	smov.u32 s12  }
0x1d: {  	v4 =	vmul.u32 $0x3E8, v4;
	_ =	sdelay $0x1  }
0x1e: {  	v4 =	vbroadcast v4, $0x0  }
0x1f: {  	v5 =	vand.u32 $0xFFFFFFF8, v3  }
0x20: {  	v3 =	vand.u32 $0x7, v3;
	v4 =	vadd.s32 v5, v4  }
0x21: {  	v3 =	vor.u32 v3, v4  }
0x22: {  	v3 =	vadd.s32 v1, v3;
	_ =	sdelay $0x1  }
.Ltmp2:
0x23: {  	(pc) =	sbr.rel @p0 .LBB2_7-.Ltmp2, $3  }
0x24: {  	_ =	sdelay $0x1  }
0x25: {  	s14 =	sadd.s32 $0x10, s14;
	[tilespmem:v3+s8+$0x0] =	vst.idx.msk $0xffff, v2  }
0x26: {  	s12 =	sadd.s32 $0x10, s12;
	v3 =	vld [tilespmem:s14+$0x0]  }
0x27: {  	v4 =	vmov s13  }
0x28: {  	v4 =	vmul.u32 $0x3E8, v4;
	_ =	sdelay $0x1  }
0x29: {  	v4 =	vbroadcast v4, $0x0  }
0x2a: {  	v5 =	vand.u32 $0xFFFFFFF8, v3  }
0x2b: {  	v3 =	vand.u32 $0x7, v3;
	v4 =	vadd.s32 v5, v4  }
0x2c: {  	v3 =	vor.u32 v3, v4  }
0x2d: {  	v3 =	vadd.s32 v1, v3  }
0x2e: {  	s12 =	sshll.u32 s11, $0x7  }
0x2f: {  	s12 =	sadd.s32 s3, s12  }
0x30: {  	s12 =	smul.u32 $0x7D, s12;
	_ =	sdelay $0x1  }
0x31: {  	s31 =	sadd.s32 s2, s12;
	s12 =	simm.s32 $0x0;
	[tilespmem:v3+s8+$0x0] =	vst.idx.msk $0xffff, v2  }
0x32: {  	[hbm4b:s31+s12] =	stream.linear.scatter [tilespmem:s8], [sflag:$0x1], $0x1F400, $0x38;
	[tilespmem:$0x1F600] =	vst v63  }
0x33: {  	_ =	swait.ge [sflag:s7], $0x1F400  }
0x34: {  	[sflag:s7] =	ssyncset.done $0x0  }
0x35: {  	[sflag:s7] =	ssyncadd.s32 $0xFFFE0C00  }
0x36: {  	s13 =	simm.s32 $0x10;
	s14 =	smov.u32 s10;
	v3 =	vld [tilespmem:s10+$0x0]  }
.LBB2_9:
0x37: {  	p0 =	sne.s32 s13, $0x70;
	v4 =	vmov s12;
	s12 =	smov.u32 s13  }
0x38: {  	v4 =	vmul.u32 $0x3E8, v4;
	_ =	sdelay $0x1  }
0x39: {  	v4 =	vbroadcast v4, $0x0  }
0x3a: {  	v5 =	vand.u32 $0xFFFFFFF8, v3  }
0x3b: {  	v3 =	vand.u32 $0x7, v3;
	v4 =	vadd.s32 v5, v4  }
0x3c: {  	v3 =	vor.u32 v3, v4  }
0x3d: {  	v3 =	vadd.s32 v1, v3;
	_ =	sdelay $0x1  }
.Ltmp3:
0x3e: {  	(pc) =	sbr.rel @p0 .LBB2_9-.Ltmp3, $3  }
0x3f: {  	_ =	sdelay $0x1  }
0x40: {  	s14 =	sadd.s32 $0x10, s14;
	[tilespmem:v3+s8+$0x0] =	vst.idx.msk $0xffff, v0  }
0x41: {  	s13 =	sadd.s32 $0x10, s13;
	v3 =	vld [tilespmem:s14+$0x0]  }
0x42: {  	v4 =	vmov s12  }
0x43: {  	v4 =	vmul.u32 $0x3E8, v4;
	_ =	sdelay $0x1  }
0x44: {  	v4 =	vbroadcast v4, $0x0  }
0x45: {  	v5 =	vand.u32 $0xFFFFFFF8, v3  }
0x46: {  	v3 =	vand.u32 $0x7, v3;
	v4 =	vadd.s32 v5, v4  }
0x47: {  	s11 =	sadd.s32 $0x1, s11;
	v3 =	vor.u32 v3, v4  }
0x48: {  	p0 =	sne.s32 s11, $0x4;
	v3 =	vadd.s32 v1, v3  }
.Ltmp4:
0x49: {  	_ = 	snop;
	(pc) =	sbr.rel @p0 .LBB2_6-.Ltmp4, $2  }
0x4a: {  	_ =	sdelay $0x2  }
0x4b: {  	s10 =	sadd.s32 $0x80, s10;
	[tilespmem:v3+s8+$0x0] =	vst.idx.msk $0xffff, v0  }
0x4c: {  	s9 =	sadd.s32 $0x1, s9  }
0x4d: {  	p0 =	sne.s32 s9, s6  }
.Ltmp5:
0x4e: {  	_ = 	snop;
	(pc) =	sbr.rel @p0 .LBB2_1-.Ltmp5, $1  }
0x4f: {  	_ =	sdelay $0x3  }
0x50: {  	_ =	sfence.sel $0x180000  }
0x51: {  	[bflag:$0x0] =	sbarrier.arrive $0xFFFF  }
0x52: {  	p0 =	sne.s32 s0, $0x0;
	_ =	strace $0x90000047  }
0x53: {  	s0 =	sadd.s32 @!p0 $0x100000, s1;
	[bflag:$0x2] =	sbarrier.arrive $0xFFFF  }
0x54: {  	[sflag:s0] =	ssyncadd.tile.s32 @!p0 $0x1;
	_ =	shalt  }
.Lfunc_end2:
_tile_overlayer_lowered:
.L_overlay_start_2:
0x55: {  	(tag) =	ssettag $0x2  }
0x56: {  	s0 =	rddreg [dreg:$0x0];
	s2 =	stileid.u32  }
0x57: {  	s1 =	rddreg [dreg:$0x1];
	p0 =	sne.s32 s2, $0x0  }
0x58: {  	s3 =	rddreg [dreg:$0x2];
	[bflag:$0x3] =	sbarrier.arrive $0xFFFF;
	s2 =	simm.s32 @!p0 $0x1C01  }
0x59: {  	[timem:s3], [sflag:s2] =	dma.local @!p0 [hbm:s0], s1  }
0x5a: {  	s0 =	simm.s32 @!p0 $0x1  }
0x5b: {  	_ =	swait.ge @!p0 [sflag:s0], s1  }
0x5c: {  	s1 =	ssub.s32 @!p0 $0x0, s1;
	[sflag:s0] =	ssyncset.done @!p0 $0x0  }
0x5d: {  	[sflag:s0] =	ssyncadd.s32 @!p0 s1  }
0x5e: {  	[bflag:$0x3] =	sbarrier.arrive $0xFFFF  }
0x5f: {  	_ =	shalt  }

// kernel: sparse-core-data-format-call.cloned.1.call-start
scs
called_computation_lowered:
.L_overlay_start_0:
0x0: {  	s2 =	sld [smem:$0x3FD9]  }
0x1: {  	s3 =	sld [smem:$0x3FFE];
	_ =	sdelay $0x1  }
0x2: {  	s1 =	srdreg.scid  }
0x3: {  	s0 =	sand.u32 $0x1, s1  }
0x4: {  	s15 =	sshll.u32 s0, $0xA;
	s2 =	sadd.s32 s3, s2  }
0x5: {  	s2 =	sadd.s32 s2, s15  }
0x6: {  	[smem:$0x3FC6] =	sst s2  }
0x7: {  	_ = 	snop  }
0x8: {  	s2 =	sld [smem:$0x3FD0];
	_ =	sdelay $0x2  }
0x9: {  	s16 =	simm.s32 $0xA;
	s4 =	simm.s32 $0x10  }
0xa: {  	[smem:s4], [sflag:s16] =	dma.local [hbm:s2], $0x1  }
0xb: {  	_ =	swait.eq [sflag:s16], $0x1  }
0xc: {  	[sflag:s16] =	ssyncset.done $0x0  }
0xd: {  	[sflag:s16] =	ssyncadd.s32 $0xFFFFFFFF  }
0xe: {  	s17 =	sld [smem:$0x10];
	(tm) =	ssettm $0x1  }
0xf: {  	s18 =	sld [smem:$0x3FFB];
	_ =	sdelay $0x3  }
0x10: {  	_ =	strace s18  }
0x11: {  	s3 =	sld [smem:$0x3FFC];
	_ =	sdelay $0x3  }
0x12: {  	_ =	strace s3  }
0x13: {  	s3 =	sld [smem:$0x3FFD];
	_ =	sdelay $0x3  }
0x14: {  	_ =	strace s3  }
0x15: {  	_ =	strace $0x8FFFFFFF  }
0x16: {  	s19 =	sld [smem:$0x3FDB];
	_ =	sdelay $0x1  }
0x17: {  	s20 =	simm.s32 $_scs_section_size  }
0x18: {  	s5 =	simm.s32 $_size__tile_overlayer_lowered;
	s6 =	simm.s32 $_tile_overlayer_lowered  }
0x19: {  	s23 =	simm.s32 $0x1BFF;
	s22 =	sshll.u32 s6, $0x1;
	s3 =	sadd.s32 s20, s19  }
0x1a: {  	s7 =	simm.s32 $0x0;
	s21 =	sshll.u32 s5, $0x1;
	s5 =	sadd.s32 s22, s3  }
0x1b: {  	[timem:s7], [sflag:s23] =	dma.local [hbm:s5], s21  }
0x1c: {  	_ =	swait.ge [sflag:s23], s21  }
0x1d: {  	s4 =	ssub.s32 $0x0, s21;
	[sflag:s23] =	ssyncset.done $0x0  }
0x1e: {  	[sflag:s23] =	ssyncadd.s32 s4;
	_ =	sdelay $0x1  }
0x1f: {  	s24 =	simm.s32 $0x1B8B  }
0x20: {  	_ =	swait.ge [sflag:s24], $0x1  }
0x21: {  	[sflag:s24] =	ssyncset.done $0x0  }
0x22: {  	s26 =	simm.s32 $0x1B8E;
	s25 =	sld [smem:$0x3FFE];
	[sflag:s24] =	ssyncadd.s32 $0xFFFFFFFF  }
0x23: {  	s27 =	simm.s32 $execute0_lowered;
	[smem:$0x3FD2] =	sst s26  }
0x24: {  	s5 =	sshll.u32 s27, $0x1;
	_ =	strace $0x80000049;
	[dreg:$0x1] =	wrdreg $0xFFFFFFFF  }
0x25: {  	s28 =	simm.s32 $_size_execute0_lowered;
	s3 =	sadd.s32 s3, s5;
	[dreg:$0x0] =	wrdreg $0x0  }
0x26: {  	s5 =	sshll.u32 s28, $0x1;
	[dreg:$0x2] =	wrdreg s3  }
0x27: {  	[dreg:$0x3] =	wrdreg s5  }
0x28: {  	[dreg:$0x4] =	wrdreg $0xC0  }
0x29: {  	_ =	task [dreg:s7], $0x5FFFF  }
0x2a: {  	[dreg:$0x1] =	wrdreg $0xFFFFFFFF  }
0x2b: {  	[dreg:$0x0] =	wrdreg $0x60  }
0x2c: {  	[dreg:$0x2] =	wrdreg s25  }
0x2d: {  	[dreg:$0x3] =	wrdreg s17  }
0x2e: {  	[dreg:$0x4] =	wrdreg $0x9  }
0x2f: {  	_ =	task.clear_ibuf [dreg:s7], $0x5FFFF;
	_ =	strace $0x90000049  }
0x30: {  	s29 =	simm.s32 $0x9;
	_ =	strace $0x8000004B  }
0x31: {  	_ =	swait.ge [sflag:s29], $0x1  }
0x32: {  	[sflag:s29] =	ssyncadd.s32 $0xFFFFFFFF  }
0x33: {  	_ =	strace $0x9000004B  }
0x34: {  	_ =	sfence  }
0x35: {  	s30 =	sld [smem:$0x0];
	_ =	sdelay $0x2  }
0x36: {  	s31 =	sshll.u32 s1, $0xD;
	s1 =	sshrl.u32 s1, $0x2  }
0x37: {  	s3 =	sand.u32 $0x4000, s31;
	s1 =	sadd.s32 s1, s30  }
0x38: {  	s0 =	sor.u32 s3, s0;
	s1 =	sshll.u32 s1, $0x11  }
0x39: {  	s0 =	sor.u32 s1, s0  }
0x3a: {  	s0 =	sadd.s32 $0x8F2B, s0  }
0x3b: {  	[sflag:s0] =	ssyncadd.remote.s32 $0x1  }
0x3c: {  	_ =	sfence.sel $0xFFFF  }
0x3d: {  	[dreg:$0x0] =	wrdreg $0xFFFFFFFF;
	(pc) =	sbr.abs _section_cstart, $3  }
0x3e: {  	[dreg:$0x1] =	wrdreg $0xFFFFFFFF  }
0x3f: {  	_ =	task.clear_ibuf [dreg:s7], $0x2FFFF;
	_ =	strace $0x9FFFFFFF  }
0x40: {  	(tm) =	ssettm $0x7FFFFFFF  }
0x41: {  	_ =	shalt  }
tec
execute0_lowered:
.L_overlay_start_1:
0x0: {  	(tag) =	ssettag $0x1  }
0x1: {  	s0 =	srdreg.scid;
	s5 =	rddreg [dreg:$0x0]  }
0x2: {  	s3 =	rddreg [dreg:$0x1];
	s1 =	sshll.u32 s0, $0x4  }
0x3: {  	s7 =	simm.s32 $0x1;
	s0 =	stileid.u32;
	s1 =	sand.u32 $0x10, s1  }
0x4: {  	s8 =	simm.s32 $0x2;
	s15 =	simm.s32 $0x0;
	s1 =	sor.u32 s0, s1  }
0x5: {  	s14 =	simm.s32 $0x0;
	s9 =	simm.s32 $0x0;
	s2 =	sshll.u32 s1, $0x7  }
0x6: {  	s10 =	simm.s32 $0x0;
	s11 =	simm.s32 $0x0;
	s6 =	ssub.s32 $0x4000, s2  }
0x7: {  	s13 =	simm.s32 $0x0;
	s5 =	sadd.s32 $0xE00, s5;
	s4 =	sand.u32 $0xF80, s6  }
.Ltmp0:
0x8: {  	s1 =	rddreg [dreg:$0x2];
	p0 =	sne.s32 s4, $0x0;
	(pc) =	sbr.rel .LBB1_1-.Ltmp0, $4  }
0x9: {  	_ =	strace $0x8000004A;
	s6 =	sshrl.u32 s6, $0xC;
	s7 =	simm.s32 @!p0 $0x0  }
0xa: {  	s12 =	smov.u32 s2;
	s4 =	simm.s32 $0x1;
	s6 =	sadd.s32 s7, s6  }
0xb: {  	[sflag:s4] =	ssyncpa.u1 $0x0;
	p0 =	por $0x0, $0x0;
	s6 =	sshll.u32 s6, $0x3  }
0xc: {  	[sflag:s8] =	ssyncpa.u1 $0x0;
	s8 =	simm.s32 $0x20000;
	s7 =	sor.u32 $0x1, s6  }
.LBB1_4:
0xd: {  	s20 =	sshra.s32 s20, $0x2  }
0xe: {  	s28 =	sand.u32 $0x78, s10;
	s21 =	sshll.u32 s9, $0xE;
	s22 =	sshll.u32 s10, $0x3  }
0xf: {  	s24 =	sshll.u32 s9, $0x7;
	p1 =	sgt.s32 s9, $0x368;
	s30 =	sshra.s32 s9, $0x1F  }
0x10: {  	s26 =	sshra.s32 s10, $0x1F;
	s19 =	sadd.s32 s20, s19;
	s21 =	sand.u32 $0xFFFE0000, s21  }
0x11: {  	v5 =	vld [tilespmem:s17+$0xFFFFFFD0];
	[tilespmem:s18+$0x2040 ss:$0x81] =	vst.msk $0xffff, v4;
	s23 =	sand.u32 $0xFFFFFC00, s22;
	s29 =	sand.u32 $0x380, s24;
	s22 =	sand.u32 $0x3C00, s22  }
0x12: {  	v58 =	vld [tilespmem:s17+$0xFFFFFFE0];
	[tilespmem:s18+$0x2850 ss:$0x81] =	vst.msk $0xffff, v3;
	s21 =	sadd.s32 s23, s21;
	s20 =	sor.u32 s28, s22;
	s22 =	smov.u32 s9  }
0x13: {  	v59 =	vld [tilespmem:s17+$0xFFFFFFF0];
	[tilespmem:s18+$0x3060 ss:$0x81] =	vst.msk $0xffff, v2;
	s24 =	sand.u32 s30, s9;
	s21 =	sshrl.u32 s21, $0xE;
	s22 =	simm.s32 @!p1 $0x368  }
0x14: {  	v60 =	vld [tilespmem:s17+$0x0];
	[tilespmem:s18+$0x0 ss:$0x81] =	vst.msk $0xffff, v1;
	p1 =	sgt.s32 s10, $0x3F80;
	s31 =	ssub.s32 s22, s24;
	s22 =	smov.u32 s10  }
0x15: {  	v61 =	vld [tilespmem:s17+$0x10];
	[tilespmem:s19+$0x3870 ss:$0x81] =	vst.msk $0xffff, v0;
	s25 =	smulhi.u32 $0x418938, s21;
	s24 =	sand.u32 s26, s10;
	s22 =	simm.s32 @!p1 $0x3F80  }
0x16: {  	v62 =	vld [tilespmem:s17+$0x20];
	s20 =	sor.u32 s29, s20;
	[tilespmem:s19+$0x810 ss:$0x81] =	vst.msk $0xffff, v5;
	s27 =	sadd.s32 $0xFFFFFC98, s31;
	s22 =	ssub.s32 s22, s24  }
0x17: {  	v63 =	vld [tilespmem:s17+$0xFFFFFFC0];
	[tilespmem:s19+$0x1020 ss:$0x81] =	vst.msk $0xffff, v58;
	s18 =	ssub.s32 $0x3E8, s31;
	s28 =	smul.u32 $0x3E8, s25;
	s29 =	sadd.s32 $0xFFFFC080, s22  }
0x18: {  	[tilespmem:s19+$0x1830 ss:$0x81] =	vst.msk $0xffff, v59;
	p1 =	sgt.s32 s27, $0x7F;
	s22 =	ssub.s32 $0x4000, s22;
	p2 =	sgt.s32 s29, $0x7F  }
0x19: {  	s30 =	sand.u32 $0x7, s10;
	[tilespmem:s19+$0x2040 ss:$0x81] =	vst.msk $0xffff, v60;
	s18 =	simm.s32 @p1 $0x0;
	s22 =	simm.s32 @p2 $0x0  }
0x1a: {  	s20 =	sshrl.u32 s20, $0x3;
	[tilespmem:s19+$0x2850 ss:$0x81] =	vst.msk $0xffff, v61;
	s17 =	ssub.s32 s21, s28;
	s18 =	smul.u32 s22, s18  }
0x1b: {  	[tilespmem:s19+$0x3060 ss:$0x81] =	vst.msk $0xffff, v62;
	s20 =	sadd.s32 s3, s20;
	s21 =	sshll.u32 s30, $0x12;
	s17 =	sshll.u32 s17, $0xB  }
0x1c: {  	[tilespmem:s19+$0x0 ss:$0x81] =	vst.msk $0xffff, v63;
	s31 =	sor.u32 $0x400, s21;
	s17 =	sadd.s32 s17, s20;
	s18 =	sand.u32 $0x3FFFFFFF, s18  }
0x1d: {  	[hbm4b:s17+s31] =	stream.strided.scatter [tilespmem:s16], [sflag:$0x2], s18, s8, s31, $0x20;
	[tilespmem:$0x10100] =	vst v63  }
.LBB1_5:
0x1e: {  	p1 =	slt.u32 s13, $0x2  }
0x1f: {  	s17 =	smov.u32 s15;
	p2 =	sgt.s32 @!p1 s15, $0x368;
	s16 =	sshra.s32 @!p1 s15, $0x1F  }
0x20: {  	p3 =	sgt.s32 @!p1 s14, $0x3F80;
	s18 =	sshra.s32 @!p1 s14, $0x1F;
	p2 =	por !p2, p1  }
0x21: {  	s15 =	sand.u32 @!p1 s16, s15;
	p3 =	por !p3, p1;
	s16 =	smov.u32 s14  }
0x22: {  	s14 =	sand.u32 @!p1 s18, s14;
	s17 =	simm.s32 @p2 $0x368;
	s16 =	simm.s32 @p3 $0x3F80  }
0x23: {  	s15 =	ssub.s32 @!p1 s17, s15;
	s14 =	ssub.s32 @!p1 s16, s14  }
0x24: {  	s18 =	smov.u32 s12;
	s16 =	sadd.s32 @!p1 $0xFFFFFC98, s15;
	s17 =	sadd.s32 @!p1 $0xFFFFC080, s14  }
0x25: {  	s15 =	ssub.s32 @!p1 $0x3E8, s15;
	p2 =	sgt.s32 @!p1 s16, $0x7F;
	p3 =	sgt.s32 @!p1 s17, $0x7F  }
0x26: {  	s14 =	ssub.s32 @!p1 $0x4000, s14;
	p2 =	por !p2, p1;
	p3 =	por !p3, p1  }
0x27: {  	s16 =	sadd.s32 $0x80, s11;
	s15 =	simm.s32 @!p2 $0x0;
	s14 =	simm.s32 @!p3 $0x0  }
0x28: {  	p2 =	sgt.s32 s16, $0x3E7;
	s14 =	smul.u32 @!p1 s14, s15;
	s15 =	sadd.s32 $0x1000, s12  }
0x29: {  	s18 =	smov.u32 @p2 s15  }
0x2a: {  	s16 =	simm.s32 @p2 $0x0;
	p2 =	sgt.s32 s18, $0x3FFF  }
0x2b: {  	s18 =	smov.u32 @p2 s2;
	p2 =	sne.s32 s13, s7  }
.Ltmp1:
0x2c: {  	p0 =	por !p0, !p0;
	s17 =	simm.s32 @!p1 $0x2;
	(pc) =	sbr.rel @!p2 .LBB1_6-.Ltmp1, $4  }
0x2d: {  	s15 =	smov.u32 s9;
	s9 =	smov.u32 s11;
	s14 =	sand.u32 @!p1 $0x3FFFFFFF, s14  }
0x2e: {  	s11 =	smov.u32 s16;
	_ =	swait.ge @!p1 [sflag:s17], s14;
	s19 =	ssub.s32 @!p1 $0x0, s14  }
0x2f: {  	s14 =	smov.u32 s10;
	s13 =	sadd.s32 $0x1, s13;
	[sflag:s17] =	ssyncset.done @!p1 $0x0  }
0x30: {  	s10 =	smov.u32 s12;
	s12 =	smov.u32 s18;
	[sflag:s17] =	ssyncadd.s32 @!p1 s19  }
.LBB1_1:
0x31: {  	p1 =	sge.u32 s13, s6  }
0x32: {  	s31 =	sadd.s32 $0xFFFFFFFF, s13;
	s16 =	sshll.u32 @!p1 s12, $0xA  }
0x33: {  	s17 =	sshll.u32 @!p1 s11, $0x3;
	s18 =	sshll.u32 @!p1 s12, $0x7;
	s16 =	sand.u32 @!p1 $0xFFE000, s16  }
0x34: {  	s19 =	sand.u32 @!p1 $0x78, s11;
	s16 =	sadd.s32 @!p1 s16, s17;
	s17 =	sand.u32 @!p1 $0x380, s18  }
0x35: {  	s18 =	sxor.u32 @!p1 $0xFFFFFFFF, s13;
	s16 =	sand.u32 @!p1 $0xFFFC00, s16;
	s17 =	sor.u32 @!p1 s17, s19  }
0x36: {  	s18 =	sshll.u32 @!p1 s18, $0xE;
	s16 =	sor.u32 @!p1 s16, s17;
	s17 =	sand.u32 @!p1 $0x7, s11  }
0x37: {  	s19 =	simm.s32 @!p1 $0x2000;
	s16 =	sshrl.u32 @!p1 s16, $0x3;
	s17 =	sshll.u32 @!p1 s17, $0x12  }
0x38: {  	s18 =	sand.u32 @!p1 $0x4000, s18;
	s16 =	sadd.s32 @!p1 s5, s16;
	s17 =	sor.u32 @!p1 $0x400, s17  }
0x39: {  	[tilespmem:s18], [sflag:$0x1] =	stream.strided.gather @!p1 [hbm4b:s16+s17], $0x4000, s19, s17, $0x38;
	[tilespmem:$0x10100] =	vst v63  }
0x3a: {  	p1 =	sge.u32 s31, s6  }
.Ltmp2:
0x3b: {  	_ = 	snop;
	(pc) =	sbr.rel @p1 .LBB1_5-.Ltmp2, $1  }
0x3c: {  	_ =	sdelay $0x3  }
0x3d: {  	s16 =	simm.s32 $0x1  }
0x3e: {  	_ =	swait.ge [sflag:s4], $0x4000;
	s16 =	simm.s32 @!p0 $0x0  }
0x3f: {  	[sflag:s4] =	ssyncset.done $0x0;
	s17 =	sshll.u32 s16, $0xE  }
0x40: {  	[sflag:s4] =	ssyncadd.s32 $0xFFFFC000;
	s17 =	sor.u32 $0x40, s17  }
0x41: {  	s16 =	smul.u32 $0x10200, s16;
	v0 =	vld [tilespmem:s17+$0x30]  }
0x42: {  	v1 =	vld [tilespmem:s17+$0xFFFFFFD0]  }
0x43: {  	s16 =	sshrl.u32 s16, $0x2;
	v5 =	vld [tilespmem:s17+$0xFFFFFFE0]  }
0x44: {  	v6 =	vld [tilespmem:s17+$0xFFFFFFF0];
	s19 =	sor.u32 $0x8000, s16  }
0x45: {  	s31 =	sand.u32 $0x1, s13;
	v4 =	vld [tilespmem:s17+$0x0];
	s18 =	sadd.s32 $0x0, s19  }
0x46: {  	v3 =	vld [tilespmem:s17+$0x10];
	s16 =	smul.u32 $0x10200, s31;
	[tilespmem:s18+$0x3870 ss:$0x81] =	vst.msk $0xffff, v0  }
0x47: {  	v2 =	vld [tilespmem:s17+$0x20];
	[tilespmem:s18+$0x810 ss:$0x81] =	vst.msk $0xffff, v1  }
0x48: {  	s16 =	sshrl.u32 s16, $0x2;
	v1 =	vld [tilespmem:s17+$0xFFFFFFC0];
	[tilespmem:s18+$0x1020 ss:$0x81] =	vst.msk $0xffff, v5;
	s17 =	sadd.s32 $0x80, s17  }
0x49: {  	s20 =	simm.s32 $0x4;
	s21 =	simm.s32 $0x8;
	s16 =	sor.u32 $0x8000, s16;
	[tilespmem:s18+$0x1830 ss:$0x81] =	vst.msk $0xffff, v6;
	v0 =	vld [tilespmem:s17+$0x30]  }
.LBB1_3:
0x4a: {  	p1 =	sne.s32 s21, $0x1FC;
	v5 =	vld [tilespmem:s17+$0xFFFFFFD0];
	[tilespmem:s18+$0x2040 ss:$0x81] =	vst.msk $0xffff, v4  }
0x4b: {  	v6 =	vld [tilespmem:s17+$0xFFFFFFE0];
	[tilespmem:s18+$0x2850 ss:$0x81] =	vst.msk $0xffff, v3  }
0x4c: {  	s22 =	sshra.s32 s20, $0x2;
	s20 =	smov.u32 s21;
	v7 =	vld [tilespmem:s17+$0xFFFFFFF0];
	[tilespmem:s18+$0x3060 ss:$0x81] =	vst.msk $0xffff, v2  }
.Ltmp3:
0x4d: {  	v4 =	vld [tilespmem:s17+$0x0];
	[tilespmem:s18+$0x0 ss:$0x81] =	vst.msk $0xffff, v1;
	s18 =	sadd.s32 s22, s19;
	(pc) =	sbr.rel @p1 .LBB1_3-.Ltmp3, $4  }
0x4e: {  	v3 =	vld [tilespmem:s17+$0x10];
	[tilespmem:s18+$0x3870 ss:$0x81] =	vst.msk $0xffff, v0  }
0x4f: {  	[tilespmem:s18+$0x810 ss:$0x81] =	vst.msk $0xffff, v5;
	v2 =	vld [tilespmem:s17+$0x20]  }
0x50: {  	v1 =	vld [tilespmem:s17+$0xFFFFFFC0];
	[tilespmem:s18+$0x1020 ss:$0x81] =	vst.msk $0xffff, v6;
	s17 =	sadd.s32 $0x80, s17  }
0x51: {  	s21 =	sadd.s32 $0x4, s21;
	v0 =	vld [tilespmem:s17+$0x30];
	[tilespmem:s18+$0x1830 ss:$0x81] =	vst.msk $0xffff, v7  }
.Ltmp4:
0x52: {  	_ = 	snop;
	(pc) =	sbr.rel .LBB1_4-.Ltmp4, $1  }
0x53: {  	_ =	sdelay $0x3  }
.LBB1_6:
0x54: {  	_ =	sfence.sel $0x180000  }
0x55: {  	s2 =	simm.s32 $0x1;
	[bflag:$0x0] =	sbarrier.arrive $0xFFFF  }
0x56: {  	s31 =	simm.s32 $0x2;
	[sflag:s2] =	ssyncpa.u1 $0x1  }
0x57: {  	[sflag:s31] =	ssyncpa.u1 $0x1  }
0x58: {  	p0 =	sne.s32 s0, $0x0;
	_ =	strace $0x9000004A  }
0x59: {  	s0 =	sadd.s32 @!p0 $0x100000, s1;
	[bflag:$0x2] =	sbarrier.arrive $0xFFFF  }
0x5a: {  	[sflag:s0] =	ssyncadd.tile.s32 @!p0 $0x1;
	_ =	shalt  }
.Lfunc_end1:
_tile_overlayer_lowered:
.L_overlay_start_2:
0x5b: {  	(tag) =	ssettag $0x2  }
0x5c: {  	s0 =	rddreg [dreg:$0x0];
	s2 =	stileid.u32  }
0x5d: {  	s1 =	rddreg [dreg:$0x1];
	p0 =	sne.s32 s2, $0x0  }
0x5e: {  	s3 =	rddreg [dreg:$0x2];
	[bflag:$0x3] =	sbarrier.arrive $0xFFFF;
	s2 =	simm.s32 @!p0 $0x1C01  }
0x5f: {  	[timem:s3], [sflag:s2] =	dma.local @!p0 [hbm:s0], s1  }
0x60: {  	s0 =	simm.s32 @!p0 $0x1  }
0x61: {  	_ =	swait.ge @!p0 [sflag:s0], s1  }
0x62: {  	s1 =	ssub.s32 @!p0 $0x0, s1;
	[sflag:s0] =	ssyncset.done @!p0 $0x0  }
0x63: {  	[sflag:s0] =	ssyncadd.s32 @!p0 s1  }
0x64: {  	[bflag:$0x3] =	sbarrier.arrive $0xFFFF  }
0x65: {  	_ =	shalt  }

</sc_bundles>
